<compile_context>
chip_gen: v7x
topology: tpu7x:2x2x1
jax: 0.10.2.dev20260603
libtpu: 0.0.44.dev20260713+nightly
codegen_flags: <defaults>
</compile_context>

<pallas_src>
import functools

import jax
import jax.numpy as jnp
from jax import lax
from jax.experimental import pallas as pl
from jax.experimental.pallas import tpu as pltpu
from jax.experimental.pallas import tpu_sc as plsc

_N = 16384
_D = 128
_K = 64
_L = 16
_NW = 32
_PW = _N // _NW
_TW = 128
_C = 256
_NCHUNK = _PW // _C
_U = 8


def _body(inp1_hbm, idx_hbm, out_hbm, table_v, idx_v, block_v, out_v):
    wid = lax.axis_index("s") * 2 + lax.axis_index("c")
    base = wid * _PW

    pltpu.sync_copy(inp1_hbm.at[:, pl.ds(0, _TW)], table_v)
    pltpu.sync_copy(idx_hbm.at[pl.ds(base, _PW)], idx_v)

    iota = lax.iota(jnp.int32, _L)
    zero = jnp.zeros((_L,), jnp.int32)

    for c in range(_NCHUNK):
        cbase = base + c * _C
        pltpu.sync_copy(inp1_hbm.at[:, pl.ds(cbase, _C)], block_v)

        def group(gi, _, c=c):
            i0 = gi * _L
            idx_vec = idx_v[pl.ds(c * _C + i0, _L)]
            idx_vec = jnp.clip(idx_vec, 0, _K - 1)
            sidx0 = iota * _D + i0 * _D

            def jloop(jj, carry):
                jvec, sidx = carry
                j0 = jj * _U
                for u in range(_U):
                    a = block_v[j0 + u, pl.ds(i0, _L)]
                    t = plsc.load_gather(table_v, [jvec, idx_vec])
                    plsc.store_scatter(out_v, [sidx], a * t * t)
                    jvec = jvec + 1
                    sidx = sidx + 1
                return jvec, sidx

            lax.fori_loop(0, _D // _U, jloop, (zero, sidx0))
            return _

        lax.fori_loop(0, _C // _L, group, 0)
        pltpu.sync_copy(out_v, out_hbm.at[pl.ds(cbase * _D, _C * _D)])


def kernel(inp1, inp2):
    idx = inp2.reshape(-1).astype(jnp.int32)
    mesh = plsc.VectorSubcoreMesh(core_axis_name="c", subcore_axis_name="s")
    k = functools.partial(
        pl.kernel,
        mesh=mesh,
        out_type=jax.ShapeDtypeStruct((_N * _D,), jnp.float32),
        scratch_types=[
            pltpu.VMEM((_D, _TW), jnp.float32),
            pltpu.VMEM((_PW,), jnp.int32),
            pltpu.VMEM((_D, _C), jnp.float32),
            pltpu.VMEM((_C * _D,), jnp.float32),
        ],
        compiler_params=pltpu.CompilerParams(needs_layout_passes=False),
    )(_body)
    return (k(inp1, idx).reshape(_N, _D),)

# --- scband reference (transcript-rebuilt; emitter-appended) ---
"""Pipeline reference for scband-model1-11879879543379 (READ-ONLY COPY).

The authoritative reference and input builder live on the scoring server;
editing this copy changes nothing except your own understanding.
"""

import jax, jax.numpy as jnp
import numpy as np


def setup_inputs(seed: int = 0) -> dict:
    key = jax.random.key(seed)
    k1, k2 = jax.random.split(key)
    inp1 = jax.random.normal(k1, (128, 16384), dtype=jnp.float32)
    inp2 = jax.random.randint(k2, (16384, 1), 0, 64).astype(jnp.int64)
    return {"inp1": inp1, "inp2": inp2}


def reference(inp1, inp2):
    # trans = tf.transpose(inp1, perm=[1, 0])
    trans = jnp.transpose(inp1, (1, 0))  # [16384, 128]
    # gather = tf.gather(trans, tf.clip_by_value(inp2, 0, 63), axis=0)
    idx = jnp.clip(inp2, 0, 63)  # [16384, 1]
    gather = jnp.take(trans, idx, axis=0)  # [16384, 1, 128]
    # squeeze = tf.squeeze(gather, axis=1)
    squeeze = jnp.squeeze(gather, axis=1)  # [16384, 128]
    # mul1 = squeeze * squeeze
    mul1 = jnp.multiply(squeeze, squeeze)
    # mul2 = trans * mul1 (broadcast: shapes match [16384, 128])
    mul2 = jnp.multiply(trans, mul1)
    return (mul2,)

if __name__ == "__main__":
    import jax
    _d = setup_inputs()
    print(jax.jit(kernel)(*tuple(_d.values())))

</pallas_src>

<mosaic_0001>
#map = affine_map<(d0, d1) -> (0, 0)>
#map1 = affine_map<(d0, d1) -> (0)>
module attributes {stable_mosaic.version = 14 : i64} {
  func.func @_body(%arg0: i32, %arg1: i32, %arg2: memref<128x16384xf32, #tpu.memory_space<hbm>>, %arg3: memref<16384xi32, #tpu.memory_space<hbm>>, %arg4: memref<2097152xf32, #tpu.memory_space<hbm>>, %arg5: memref<128x128xf32, #tpu.memory_space<vmem>>, %arg6: memref<512xi32, #tpu.memory_space<vmem>>, %arg7: memref<128x256xf32, #tpu.memory_space<vmem>>, %arg8: memref<32768xf32, #tpu.memory_space<vmem>>) attributes {dimension_semantics = [#tpu.dimension_semantics<core_parallel>, #tpu.dimension_semantics<subcore_parallel>], iteration_bounds = array<i64: 2, 16>, scalar_prefetch = 0 : i64, scratch_operands = 4 : i64, tpu.core_type = #tpu.core_type<sc_vector_subcore>, window_params = [{transform_indices = #map}, {transform_indices = #map1}, {transform_indices = #map1}]} {
    %mul3A = arith.constant 2 : i32
    %mul3A_0 = arith.muli %arg1, %mul3A : i32
    %add3A = arith.addi %mul3A_0, %arg0 : i32
    %mul3A_1 = arith.constant 512 : i32
    %mul3A_2 = arith.muli %add3A, %mul3A_1 : i32
    "tpu.region"() ({
      %run_scoped3A = tpu.sem_alloc : memref<!tpu.dma_semaphore, #tpu.memory_space<semaphore_mem>>
      %dma_start3A = arith.constant 0 : i32
      %dma_start3A_23 = arith.constant 0 : i32
      %dma_start3A_24 = tpu.memref_slice %arg2[%dma_start3A, %dma_start3A_23] : memref<128x16384xf32, #tpu.memory_space<hbm>> -> memref<128x128xf32, #tpu.memory_space<hbm>>
      %dma_start3A_25 = arith.constant 0 : i32
      %dma_start3A_26 = arith.constant 0 : i32
      %dma_start3A_27 = tpu.memref_slice %arg2[%dma_start3A_25, %dma_start3A_26] : memref<128x16384xf32, #tpu.memory_space<hbm>> -> memref<128x128xf32, #tpu.memory_space<hbm>>
      tpu.enqueue_dma source(%dma_start3A_27 : memref<128x128xf32, #tpu.memory_space<hbm>>) target(%arg5 : memref<128x128xf32, #tpu.memory_space<vmem>>) target_semaphore(%run_scoped3A : memref<!tpu.dma_semaphore, #tpu.memory_space<semaphore_mem>>)
      %dma_wait3A = arith.constant 0 : i32
      %dma_wait3A_28 = arith.constant 0 : i32
      %dma_wait3A_29 = tpu.memref_slice %arg2[%dma_wait3A, %dma_wait3A_28] : memref<128x16384xf32, #tpu.memory_space<hbm>> -> memref<128x128xf32, #tpu.memory_space<hbm>>
      %dma_wait3A_30 = arith.constant 0 : i32
      %dma_wait3A_31 = arith.constant 0 : i32
      %dma_wait3A_32 = tpu.memref_slice %arg2[%dma_wait3A_30, %dma_wait3A_31] : memref<128x16384xf32, #tpu.memory_space<hbm>> -> memref<128x128xf32, #tpu.memory_space<hbm>>
      tpu.wait_dma2 semaphore(%run_scoped3A : memref<!tpu.dma_semaphore, #tpu.memory_space<semaphore_mem>>) src(%dma_wait3A_32 : memref<128x128xf32, #tpu.memory_space<hbm>>) dst(%arg5 : memref<128x128xf32, #tpu.memory_space<vmem>>)
      tpu.yield
    }) : () -> ()
    "tpu.region"() ({
      %run_scoped3A = tpu.sem_alloc : memref<!tpu.dma_semaphore, #tpu.memory_space<semaphore_mem>>
      %dma_start3A = tpu.memref_slice %arg3[%mul3A_2] : memref<16384xi32, #tpu.memory_space<hbm>> -> memref<512xi32, #tpu.memory_space<hbm>>
      %dma_start3A_23 = tpu.memref_slice %arg3[%mul3A_2] : memref<16384xi32, #tpu.memory_space<hbm>> -> memref<512xi32, #tpu.memory_space<hbm>>
      tpu.enqueue_dma source(%dma_start3A_23 : memref<512xi32, #tpu.memory_space<hbm>>) target(%arg6 : memref<512xi32, #tpu.memory_space<vmem>>) target_semaphore(%run_scoped3A : memref<!tpu.dma_semaphore, #tpu.memory_space<semaphore_mem>>)
      %dma_wait3A = tpu.memref_slice %arg3[%mul3A_2] : memref<16384xi32, #tpu.memory_space<hbm>> -> memref<512xi32, #tpu.memory_space<hbm>>
      %dma_wait3A_24 = tpu.memref_slice %arg3[%mul3A_2] : memref<16384xi32, #tpu.memory_space<hbm>> -> memref<512xi32, #tpu.memory_space<hbm>>
      tpu.wait_dma2 semaphore(%run_scoped3A : memref<!tpu.dma_semaphore, #tpu.memory_space<semaphore_mem>>) src(%dma_wait3A_24 : memref<512xi32, #tpu.memory_space<hbm>>) dst(%arg6 : memref<512xi32, #tpu.memory_space<vmem>>)
      tpu.yield
    }) : () -> ()
    %iota3A = tpu.iota {dimensions = array<i32: 0>} : vector<16xi32>
    %broadcast_in_dim3A = arith.constant 0 : i32
    %broadcast_in_dim3A_3 = vector.broadcast %broadcast_in_dim3A : i32 to vector<16xi32>
    %add3A_4 = arith.constant 0 : i32
    %add3A_5 = arith.addi %mul3A_2, %add3A_4 : i32
    "tpu.region"() ({
      %run_scoped3A = tpu.sem_alloc : memref<!tpu.dma_semaphore, #tpu.memory_space<semaphore_mem>>
      %dma_start3A = arith.constant 0 : i32
      %dma_start3A_23 = tpu.memref_slice %arg2[%dma_start3A, %add3A_5] : memref<128x16384xf32, #tpu.memory_space<hbm>> -> memref<128x256xf32, #tpu.memory_space<hbm>>
      %dma_start3A_24 = arith.constant 0 : i32
      %dma_start3A_25 = tpu.memref_slice %arg2[%dma_start3A_24, %add3A_5] : memref<128x16384xf32, #tpu.memory_space<hbm>> -> memref<128x256xf32, #tpu.memory_space<hbm>>
      tpu.enqueue_dma source(%dma_start3A_25 : memref<128x256xf32, #tpu.memory_space<hbm>>) target(%arg7 : memref<128x256xf32, #tpu.memory_space<vmem>>) target_semaphore(%run_scoped3A : memref<!tpu.dma_semaphore, #tpu.memory_space<semaphore_mem>>)
      %dma_wait3A = arith.constant 0 : i32
      %dma_wait3A_26 = tpu.memref_slice %arg2[%dma_wait3A, %add3A_5] : memref<128x16384xf32, #tpu.memory_space<hbm>> -> memref<128x256xf32, #tpu.memory_space<hbm>>
      %dma_wait3A_27 = arith.constant 0 : i32
      %dma_wait3A_28 = tpu.memref_slice %arg2[%dma_wait3A_27, %add3A_5] : memref<128x16384xf32, #tpu.memory_space<hbm>> -> memref<128x256xf32, #tpu.memory_space<hbm>>
      tpu.wait_dma2 semaphore(%run_scoped3A : memref<!tpu.dma_semaphore, #tpu.memory_space<semaphore_mem>>) src(%dma_wait3A_28 : memref<128x256xf32, #tpu.memory_space<hbm>>) dst(%arg7 : memref<128x256xf32, #tpu.memory_space<vmem>>)
      tpu.yield
    }) : () -> ()
    %scan3A = arith.constant 0 : i32
    %scan3A_6 = arith.constant 0 : i32
    %scan3A_7 = arith.constant 16 : i32
    %scan3A_8 = arith.addi %scan3A_6, %scan3A_7 : i32
    %scan3A_9 = arith.constant 1 : i32
    scf.for %scan3A_23 = %scan3A_6 to %scan3A_8 step %scan3A_9  : i32 {
      %mul3A_24 = arith.constant 16 : i32
      %mul3A_25 = arith.muli %scan3A_23, %mul3A_24 : i32
      %add3A_26 = arith.constant 0 : i32
      %add3A_27 = arith.addi %add3A_26, %mul3A_25 : i32
      %get3A = arith.index_cast %add3A_27 : i32 to index
      %get3A_28 = tpu.vector_load %arg6[%get3A] {strides = array<i32>} : memref<512xi32, #tpu.memory_space<vmem>>, vector<16xi32>,
      %jit3A = arith.constant 0 : i32
      %jit3A_29 = arith.constant 63 : i32
      %max3A = vector.broadcast %jit3A : i32 to vector<16xi32>
      %max3A_30 = arith.maxsi %max3A, %get3A_28 : vector<16xi32>
      %min3A = vector.broadcast %jit3A_29 : i32 to vector<16xi32>
      %min3A_31 = arith.minsi %min3A, %max3A_30 : vector<16xi32>
      %mul3A_32 = arith.constant 128 : i32
      %mul3A_33 = vector.broadcast %mul3A_32 : i32 to vector<16xi32>
      %mul3A_34 = arith.muli %iota3A, %mul3A_33 : vector<16xi32>
      %mul3A_35 = arith.constant 128 : i32
      %mul3A_36 = arith.muli %mul3A_25, %mul3A_35 : i32
      %add3A_37 = vector.broadcast %mul3A_36 : i32 to vector<16xi32>
      %add3A_38 = arith.addi %mul3A_34, %add3A_37 : vector<16xi32>
      %scan3A_39 = arith.constant 0 : i32
      %scan3A_40 = arith.constant 16 : i32
      %scan3A_41 = arith.addi %scan3A_39, %scan3A_40 : i32
      %scan3A_42 = arith.constant 1 : i32
      %scan3A_43:2 = scf.for %scan3A_45 = %scan3A_39 to %scan3A_41 step %scan3A_42 iter_args(%scan3A_46 = %broadcast_in_dim3A_3, %scan3A_47 = %add3A_38) -> (vector<16xi32>, vector<16xi32>)  : i32 {
        %mul3A_48 = arith.constant 8 : i32
        %mul3A_49 = arith.muli %scan3A_45, %mul3A_48 : i32
        %add3A_50 = arith.constant 0 : i32
        %add3A_51 = arith.addi %mul3A_49, %add3A_50 : i32
        %get3A_52 = arith.index_cast %add3A_51 : i32 to index
        %get3A_53 = arith.index_cast %mul3A_25 : i32 to index
        %get3A_54 = tpu.vector_load %arg7[%get3A_52, %get3A_53] {strides = array<i32>} : memref<128x256xf32, #tpu.memory_space<vmem>>, vector<16xf32>,
        %gather3A = tpu.vector_load_idx %arg5[%scan3A_46, %min3A_31] : memref<128x128xf32, #tpu.memory_space<vmem>>[vector<16xi32>, vector<16xi32>], vector<16xf32>,
        %mul3A_55 = arith.mulf %get3A_54, %gather3A : vector<16xf32>
        %mul3A_56 = arith.mulf %mul3A_55, %gather3A : vector<16xf32>
        tpu.vector_store_idx %arg8[%scan3A_47], %mul3A_56 : memref<32768xf32, #tpu.memory_space<vmem>>[vector<16xi32>], vector<16xf32>,
        %add3A_57 = arith.constant 1 : i32
        %add3A_58 = vector.broadcast %add3A_57 : i32 to vector<16xi32>
        %add3A_59 = arith.addi %scan3A_46, %add3A_58 : vector<16xi32>
        %add3A_60 = arith.constant 1 : i32
        %add3A_61 = vector.broadcast %add3A_60 : i32 to vector<16xi32>
        %add3A_62 = arith.addi %scan3A_47, %add3A_61 : vector<16xi32>
        %add3A_63 = arith.constant 1 : i32
        %add3A_64 = arith.addi %mul3A_49, %add3A_63 : i32
        %get3A_65 = arith.index_cast %add3A_64 : i32 to index
        %get3A_66 = arith.index_cast %mul3A_25 : i32 to index
        %get3A_67 = tpu.vector_load %arg7[%get3A_65, %get3A_66] {strides = array<i32>} : memref<128x256xf32, #tpu.memory_space<vmem>>, vector<16xf32>,
        %gather3A_68 = tpu.vector_load_idx %arg5[%add3A_59, %min3A_31] : memref<128x128xf32, #tpu.memory_space<vmem>>[vector<16xi32>, vector<16xi32>], vector<16xf32>,
        %mul3A_69 = arith.mulf %get3A_67, %gather3A_68 : vector<16xf32>
        %mul3A_70 = arith.mulf %mul3A_69, %gather3A_68 : vector<16xf32>
        tpu.vector_store_idx %arg8[%add3A_62], %mul3A_70 : memref<32768xf32, #tpu.memory_space<vmem>>[vector<16xi32>], vector<16xf32>,
        %add3A_71 = arith.constant 1 : i32
        %add3A_72 = vector.broadcast %add3A_71 : i32 to vector<16xi32>
        %add3A_73 = arith.addi %add3A_59, %add3A_72 : vector<16xi32>
        %add3A_74 = arith.constant 1 : i32
        %add3A_75 = vector.broadcast %add3A_74 : i32 to vector<16xi32>
        %add3A_76 = arith.addi %add3A_62, %add3A_75 : vector<16xi32>
        %add3A_77 = arith.constant 2 : i32
        %add3A_78 = arith.addi %mul3A_49, %add3A_77 : i32
        %get3A_79 = arith.index_cast %add3A_78 : i32 to index
        %get3A_80 = arith.index_cast %mul3A_25 : i32 to index
        %get3A_81 = tpu.vector_load %arg7[%get3A_79, %get3A_80] {strides = array<i32>} : memref<128x256xf32, #tpu.memory_space<vmem>>, vector<16xf32>,
        %gather3A_82 = tpu.vector_load_idx %arg5[%add3A_73, %min3A_31] : memref<128x128xf32, #tpu.memory_space<vmem>>[vector<16xi32>, vector<16xi32>], vector<16xf32>,
        %mul3A_83 = arith.mulf %get3A_81, %gather3A_82 : vector<16xf32>
        %mul3A_84 = arith.mulf %mul3A_83, %gather3A_82 : vector<16xf32>
        tpu.vector_store_idx %arg8[%add3A_76], %mul3A_84 : memref<32768xf32, #tpu.memory_space<vmem>>[vector<16xi32>], vector<16xf32>,
        %add3A_85 = arith.constant 1 : i32
        %add3A_86 = vector.broadcast %add3A_85 : i32 to vector<16xi32>
        %add3A_87 = arith.addi %add3A_73, %add3A_86 : vector<16xi32>
        %add3A_88 = arith.constant 1 : i32
        %add3A_89 = vector.broadcast %add3A_88 : i32 to vector<16xi32>
        %add3A_90 = arith.addi %add3A_76, %add3A_89 : vector<16xi32>
        %add3A_91 = arith.constant 3 : i32
        %add3A_92 = arith.addi %mul3A_49, %add3A_91 : i32
        %get3A_93 = arith.index_cast %add3A_92 : i32 to index
        %get3A_94 = arith.index_cast %mul3A_25 : i32 to index
        %get3A_95 = tpu.vector_load %arg7[%get3A_93, %get3A_94] {strides = array<i32>} : memref<128x256xf32, #tpu.memory_space<vmem>>, vector<16xf32>,
        %gather3A_96 = tpu.vector_load_idx %arg5[%add3A_87, %min3A_31] : memref<128x128xf32, #tpu.memory_space<vmem>>[vector<16xi32>, vector<16xi32>], vector<16xf32>,
        %mul3A_97 = arith.mulf %get3A_95, %gather3A_96 : vector<16xf32>
        %mul3A_98 = arith.mulf %mul3A_97, %gather3A_96 : vector<16xf32>
        tpu.vector_store_idx %arg8[%add3A_90], %mul3A_98 : memref<32768xf32, #tpu.memory_space<vmem>>[vector<16xi32>], vector<16xf32>,
        %add3A_99 = arith.constant 1 : i32
        %add3A_100 = vector.broadcast %add3A_99 : i32 to vector<16xi32>
        %add3A_101 = arith.addi %add3A_87, %add3A_100 : vector<16xi32>
        %add3A_102 = arith.constant 1 : i32
        %add3A_103 = vector.broadcast %add3A_102 : i32 to vector<16xi32>
        %add3A_104 = arith.addi %add3A_90, %add3A_103 : vector<16xi32>
        %add3A_105 = arith.constant 4 : i32
        %add3A_106 = arith.addi %mul3A_49, %add3A_105 : i32
        %get3A_107 = arith.index_cast %add3A_106 : i32 to index
        %get3A_108 = arith.index_cast %mul3A_25 : i32 to index
        %get3A_109 = tpu.vector_load %arg7[%get3A_107, %get3A_108] {strides = array<i32>} : memref<128x256xf32, #tpu.memory_space<vmem>>, vector<16xf32>,
        %gather3A_110 = tpu.vector_load_idx %arg5[%add3A_101, %min3A_31] : memref<128x128xf32, #tpu.memory_space<vmem>>[vector<16xi32>, vector<16xi32>], vector<16xf32>,
        %mul3A_111 = arith.mulf %get3A_109, %gather3A_110 : vector<16xf32>
        %mul3A_112 = arith.mulf %mul3A_111, %gather3A_110 : vector<16xf32>
        tpu.vector_store_idx %arg8[%add3A_104], %mul3A_112 : memref<32768xf32, #tpu.memory_space<vmem>>[vector<16xi32>], vector<16xf32>,
        %add3A_113 = arith.constant 1 : i32
        %add3A_114 = vector.broadcast %add3A_113 : i32 to vector<16xi32>
        %add3A_115 = arith.addi %add3A_101, %add3A_114 : vector<16xi32>
        %add3A_116 = arith.constant 1 : i32
        %add3A_117 = vector.broadcast %add3A_116 : i32 to vector<16xi32>
        %add3A_118 = arith.addi %add3A_104, %add3A_117 : vector<16xi32>
        %add3A_119 = arith.constant 5 : i32
        %add3A_120 = arith.addi %mul3A_49, %add3A_119 : i32
        %get3A_121 = arith.index_cast %add3A_120 : i32 to index
        %get3A_122 = arith.index_cast %mul3A_25 : i32 to index
        %get3A_123 = tpu.vector_load %arg7[%get3A_121, %get3A_122] {strides = array<i32>} : memref<128x256xf32, #tpu.memory_space<vmem>>, vector<16xf32>,
        %gather3A_124 = tpu.vector_load_idx %arg5[%add3A_115, %min3A_31] : memref<128x128xf32, #tpu.memory_space<vmem>>[vector<16xi32>, vector<16xi32>], vector<16xf32>,
        %mul3A_125 = arith.mulf %get3A_123, %gather3A_124 : vector<16xf32>
        %mul3A_126 = arith.mulf %mul3A_125, %gather3A_124 : vector<16xf32>
        tpu.vector_store_idx %arg8[%add3A_118], %mul3A_126 : memref<32768xf32, #tpu.memory_space<vmem>>[vector<16xi32>], vector<16xf32>,
        %add3A_127 = arith.constant 1 : i32
        %add3A_128 = vector.broadcast %add3A_127 : i32 to vector<16xi32>
        %add3A_129 = arith.addi %add3A_115, %add3A_128 : vector<16xi32>
        %add3A_130 = arith.constant 1 : i32
        %add3A_131 = vector.broadcast %add3A_130 : i32 to vector<16xi32>
        %add3A_132 = arith.addi %add3A_118, %add3A_131 : vector<16xi32>
        %add3A_133 = arith.constant 6 : i32
        %add3A_134 = arith.addi %mul3A_49, %add3A_133 : i32
        %get3A_135 = arith.index_cast %add3A_134 : i32 to index
        %get3A_136 = arith.index_cast %mul3A_25 : i32 to index
        %get3A_137 = tpu.vector_load %arg7[%get3A_135, %get3A_136] {strides = array<i32>} : memref<128x256xf32, #tpu.memory_space<vmem>>, vector<16xf32>,
        %gather3A_138 = tpu.vector_load_idx %arg5[%add3A_129, %min3A_31] : memref<128x128xf32, #tpu.memory_space<vmem>>[vector<16xi32>, vector<16xi32>], vector<16xf32>,
        %mul3A_139 = arith.mulf %get3A_137, %gather3A_138 : vector<16xf32>
        %mul3A_140 = arith.mulf %mul3A_139, %gather3A_138 : vector<16xf32>
        tpu.vector_store_idx %arg8[%add3A_132], %mul3A_140 : memref<32768xf32, #tpu.memory_space<vmem>>[vector<16xi32>], vector<16xf32>,
        %add3A_141 = arith.constant 1 : i32
        %add3A_142 = vector.broadcast %add3A_141 : i32 to vector<16xi32>
        %add3A_143 = arith.addi %add3A_129, %add3A_142 : vector<16xi32>
        %add3A_144 = arith.constant 1 : i32
        %add3A_145 = vector.broadcast %add3A_144 : i32 to vector<16xi32>
        %add3A_146 = arith.addi %add3A_132, %add3A_145 : vector<16xi32>
        %add3A_147 = arith.constant 7 : i32
        %add3A_148 = arith.addi %mul3A_49, %add3A_147 : i32
        %get3A_149 = arith.index_cast %add3A_148 : i32 to index
        %get3A_150 = arith.index_cast %mul3A_25 : i32 to index
        %get3A_151 = tpu.vector_load %arg7[%get3A_149, %get3A_150] {strides = array<i32>} : memref<128x256xf32, #tpu.memory_space<vmem>>, vector<16xf32>,
        %gather3A_152 = tpu.vector_load_idx %arg5[%add3A_143, %min3A_31] : memref<128x128xf32, #tpu.memory_space<vmem>>[vector<16xi32>, vector<16xi32>], vector<16xf32>,
        %mul3A_153 = arith.mulf %get3A_151, %gather3A_152 : vector<16xf32>
        %mul3A_154 = arith.mulf %mul3A_153, %gather3A_152 : vector<16xf32>
        tpu.vector_store_idx %arg8[%add3A_146], %mul3A_154 : memref<32768xf32, #tpu.memory_space<vmem>>[vector<16xi32>], vector<16xf32>,
        %add3A_155 = arith.constant 1 : i32
        %add3A_156 = vector.broadcast %add3A_155 : i32 to vector<16xi32>
        %add3A_157 = arith.addi %add3A_143, %add3A_156 : vector<16xi32>
        %add3A_158 = arith.constant 1 : i32
        %add3A_159 = vector.broadcast %add3A_158 : i32 to vector<16xi32>
        %add3A_160 = arith.addi %add3A_146, %add3A_159 : vector<16xi32>
        scf.yield %add3A_157, %add3A_160 : vector<16xi32>, vector<16xi32>
      }
      %scan3A_44 = arith.constant 16 : i32
    }
    %scan3A_10 = arith.constant 16 : i32
    %mul3A_11 = arith.constant 128 : i32
    %mul3A_12 = arith.muli %add3A_5, %mul3A_11 : i32
    "tpu.region"() ({
      %run_scoped3A = tpu.sem_alloc : memref<!tpu.dma_semaphore, #tpu.memory_space<semaphore_mem>>
      %dma_start3A = tpu.memref_slice %arg4[%mul3A_12] : memref<2097152xf32, #tpu.memory_space<hbm>> -> memref<32768xf32, #tpu.memory_space<hbm>>
      %dma_start3A_23 = tpu.memref_slice %arg4[%mul3A_12] : memref<2097152xf32, #tpu.memory_space<hbm>> -> memref<32768xf32, #tpu.memory_space<hbm>>
      tpu.enqueue_dma source(%arg8 : memref<32768xf32, #tpu.memory_space<vmem>>) target(%dma_start3A_23 : memref<32768xf32, #tpu.memory_space<hbm>>) target_semaphore(%run_scoped3A : memref<!tpu.dma_semaphore, #tpu.memory_space<semaphore_mem>>)
      %dma_wait3A = tpu.memref_slice %arg4[%mul3A_12] : memref<2097152xf32, #tpu.memory_space<hbm>> -> memref<32768xf32, #tpu.memory_space<hbm>>
      %dma_wait3A_24 = tpu.memref_slice %arg4[%mul3A_12] : memref<2097152xf32, #tpu.memory_space<hbm>> -> memref<32768xf32, #tpu.memory_space<hbm>>
      tpu.wait_dma2 semaphore(%run_scoped3A : memref<!tpu.dma_semaphore, #tpu.memory_space<semaphore_mem>>) src(%arg8 : memref<32768xf32, #tpu.memory_space<vmem>>) dst(%dma_wait3A_24 : memref<32768xf32, #tpu.memory_space<hbm>>)
      tpu.yield
    }) : () -> ()
    %add3A_13 = arith.constant 256 : i32
    %add3A_14 = arith.addi %mul3A_2, %add3A_13 : i32
    "tpu.region"() ({
      %run_scoped3A = tpu.sem_alloc : memref<!tpu.dma_semaphore, #tpu.memory_space<semaphore_mem>>
      %dma_start3A = arith.constant 0 : i32
      %dma_start3A_23 = tpu.memref_slice %arg2[%dma_start3A, %add3A_14] : memref<128x16384xf32, #tpu.memory_space<hbm>> -> memref<128x256xf32, #tpu.memory_space<hbm>>
      %dma_start3A_24 = arith.constant 0 : i32
      %dma_start3A_25 = tpu.memref_slice %arg2[%dma_start3A_24, %add3A_14] : memref<128x16384xf32, #tpu.memory_space<hbm>> -> memref<128x256xf32, #tpu.memory_space<hbm>>
      tpu.enqueue_dma source(%dma_start3A_25 : memref<128x256xf32, #tpu.memory_space<hbm>>) target(%arg7 : memref<128x256xf32, #tpu.memory_space<vmem>>) target_semaphore(%run_scoped3A : memref<!tpu.dma_semaphore, #tpu.memory_space<semaphore_mem>>)
      %dma_wait3A = arith.constant 0 : i32
      %dma_wait3A_26 = tpu.memref_slice %arg2[%dma_wait3A, %add3A_14] : memref<128x16384xf32, #tpu.memory_space<hbm>> -> memref<128x256xf32, #tpu.memory_space<hbm>>
      %dma_wait3A_27 = arith.constant 0 : i32
      %dma_wait3A_28 = tpu.memref_slice %arg2[%dma_wait3A_27, %add3A_14] : memref<128x16384xf32, #tpu.memory_space<hbm>> -> memref<128x256xf32, #tpu.memory_space<hbm>>
      tpu.wait_dma2 semaphore(%run_scoped3A : memref<!tpu.dma_semaphore, #tpu.memory_space<semaphore_mem>>) src(%dma_wait3A_28 : memref<128x256xf32, #tpu.memory_space<hbm>>) dst(%arg7 : memref<128x256xf32, #tpu.memory_space<vmem>>)
      tpu.yield
    }) : () -> ()
    %scan3A_15 = arith.constant 0 : i32
    %scan3A_16 = arith.constant 0 : i32
    %scan3A_17 = arith.constant 16 : i32
    %scan3A_18 = arith.addi %scan3A_16, %scan3A_17 : i32
    %scan3A_19 = arith.constant 1 : i32
    scf.for %scan3A_23 = %scan3A_16 to %scan3A_18 step %scan3A_19  : i32 {
      %mul3A_24 = arith.constant 16 : i32
      %mul3A_25 = arith.muli %scan3A_23, %mul3A_24 : i32
      %add3A_26 = arith.constant 256 : i32
      %add3A_27 = arith.addi %add3A_26, %mul3A_25 : i32
      %get3A = arith.index_cast %add3A_27 : i32 to index
      %get3A_28 = tpu.vector_load %arg6[%get3A] {strides = array<i32>} : memref<512xi32, #tpu.memory_space<vmem>>, vector<16xi32>,
      %jit3A = arith.constant 0 : i32
      %jit3A_29 = arith.constant 63 : i32
      %max3A = vector.broadcast %jit3A : i32 to vector<16xi32>
      %max3A_30 = arith.maxsi %max3A, %get3A_28 : vector<16xi32>
      %min3A = vector.broadcast %jit3A_29 : i32 to vector<16xi32>
      %min3A_31 = arith.minsi %min3A, %max3A_30 : vector<16xi32>
      %mul3A_32 = arith.constant 128 : i32
      %mul3A_33 = vector.broadcast %mul3A_32 : i32 to vector<16xi32>
      %mul3A_34 = arith.muli %iota3A, %mul3A_33 : vector<16xi32>
      %mul3A_35 = arith.constant 128 : i32
      %mul3A_36 = arith.muli %mul3A_25, %mul3A_35 : i32
      %add3A_37 = vector.broadcast %mul3A_36 : i32 to vector<16xi32>
      %add3A_38 = arith.addi %mul3A_34, %add3A_37 : vector<16xi32>
      %scan3A_39 = arith.constant 0 : i32
      %scan3A_40 = arith.constant 16 : i32
      %scan3A_41 = arith.addi %scan3A_39, %scan3A_40 : i32
      %scan3A_42 = arith.constant 1 : i32
      %scan3A_43:2 = scf.for %scan3A_45 = %scan3A_39 to %scan3A_41 step %scan3A_42 iter_args(%scan3A_46 = %broadcast_in_dim3A_3, %scan3A_47 = %add3A_38) -> (vector<16xi32>, vector<16xi32>)  : i32 {
        %mul3A_48 = arith.constant 8 : i32
        %mul3A_49 = arith.muli %scan3A_45, %mul3A_48 : i32
        %add3A_50 = arith.constant 0 : i32
        %add3A_51 = arith.addi %mul3A_49, %add3A_50 : i32
        %get3A_52 = arith.index_cast %add3A_51 : i32 to index
        %get3A_53 = arith.index_cast %mul3A_25 : i32 to index
        %get3A_54 = tpu.vector_load %arg7[%get3A_52, %get3A_53] {strides = array<i32>} : memref<128x256xf32, #tpu.memory_space<vmem>>, vector<16xf32>,
        %gather3A = tpu.vector_load_idx %arg5[%scan3A_46, %min3A_31] : memref<128x128xf32, #tpu.memory_space<vmem>>[vector<16xi32>, vector<16xi32>], vector<16xf32>,
        %mul3A_55 = arith.mulf %get3A_54, %gather3A : vector<16xf32>
        %mul3A_56 = arith.mulf %mul3A_55, %gather3A : vector<16xf32>
        tpu.vector_store_idx %arg8[%scan3A_47], %mul3A_56 : memref<32768xf32, #tpu.memory_space<vmem>>[vector<16xi32>], vector<16xf32>,
        %add3A_57 = arith.constant 1 : i32
        %add3A_58 = vector.broadcast %add3A_57 : i32 to vector<16xi32>
        %add3A_59 = arith.addi %scan3A_46, %add3A_58 : vector<16xi32>
        %add3A_60 = arith.constant 1 : i32
        %add3A_61 = vector.broadcast %add3A_60 : i32 to vector<16xi32>
        %add3A_62 = arith.addi %scan3A_47, %add3A_61 : vector<16xi32>
        %add3A_63 = arith.constant 1 : i32
        %add3A_64 = arith.addi %mul3A_49, %add3A_63 : i32
        %get3A_65 = arith.index_cast %add3A_64 : i32 to index
        %get3A_66 = arith.index_cast %mul3A_25 : i32 to index
        %get3A_67 = tpu.vector_load %arg7[%get3A_65, %get3A_66] {strides = array<i32>} : memref<128x256xf32, #tpu.memory_space<vmem>>, vector<16xf32>,
        %gather3A_68 = tpu.vector_load_idx %arg5[%add3A_59, %min3A_31] : memref<128x128xf32, #tpu.memory_space<vmem>>[vector<16xi32>, vector<16xi32>], vector<16xf32>,
        %mul3A_69 = arith.mulf %get3A_67, %gather3A_68 : vector<16xf32>
        %mul3A_70 = arith.mulf %mul3A_69, %gather3A_68 : vector<16xf32>
        tpu.vector_store_idx %arg8[%add3A_62], %mul3A_70 : memref<32768xf32, #tpu.memory_space<vmem>>[vector<16xi32>], vector<16xf32>,
        %add3A_71 = arith.constant 1 : i32
        %add3A_72 = vector.broadcast %add3A_71 : i32 to vector<16xi32>
        %add3A_73 = arith.addi %add3A_59, %add3A_72 : vector<16xi32>
        %add3A_74 = arith.constant 1 : i32
        %add3A_75 = vector.broadcast %add3A_74 : i32 to vector<16xi32>
        %add3A_76 = arith.addi %add3A_62, %add3A_75 : vector<16xi32>
        %add3A_77 = arith.constant 2 : i32
        %add3A_78 = arith.addi %mul3A_49, %add3A_77 : i32
        %get3A_79 = arith.index_cast %add3A_78 : i32 to index
        %get3A_80 = arith.index_cast %mul3A_25 : i32 to index
        %get3A_81 = tpu.vector_load %arg7[%get3A_79, %get3A_80] {strides = array<i32>} : memref<128x256xf32, #tpu.memory_space<vmem>>, vector<16xf32>,
        %gather3A_82 = tpu.vector_load_idx %arg5[%add3A_73, %min3A_31] : memref<128x128xf32, #tpu.memory_space<vmem>>[vector<16xi32>, vector<16xi32>], vector<16xf32>,
        %mul3A_83 = arith.mulf %get3A_81, %gather3A_82 : vector<16xf32>
        %mul3A_84 = arith.mulf %mul3A_83, %gather3A_82 : vector<16xf32>
        tpu.vector_store_idx %arg8[%add3A_76], %mul3A_84 : memref<32768xf32, #tpu.memory_space<vmem>>[vector<16xi32>], vector<16xf32>,
        %add3A_85 = arith.constant 1 : i32
        %add3A_86 = vector.broadcast %add3A_85 : i32 to vector<16xi32>
        %add3A_87 = arith.addi %add3A_73, %add3A_86 : vector<16xi32>
        %add3A_88 = arith.constant 1 : i32
        %add3A_89 = vector.broadcast %add3A_88 : i32 to vector<16xi32>
        %add3A_90 = arith.addi %add3A_76, %add3A_89 : vector<16xi32>
        %add3A_91 = arith.constant 3 : i32
        %add3A_92 = arith.addi %mul3A_49, %add3A_91 : i32
        %get3A_93 = arith.index_cast %add3A_92 : i32 to index
        %get3A_94 = arith.index_cast %mul3A_25 : i32 to index
        %get3A_95 = tpu.vector_load %arg7[%get3A_93, %get3A_94] {strides = array<i32>} : memref<128x256xf32, #tpu.memory_space<vmem>>, vector<16xf32>,
        %gather3A_96 = tpu.vector_load_idx %arg5[%add3A_87, %min3A_31] : memref<128x128xf32, #tpu.memory_space<vmem>>[vector<16xi32>, vector<16xi32>], vector<16xf32>,
        %mul3A_97 = arith.mulf %get3A_95, %gather3A_96 : vector<16xf32>
        %mul3A_98 = arith.mulf %mul3A_97, %gather3A_96 : vector<16xf32>
        tpu.vector_store_idx %arg8[%add3A_90], %mul3A_98 : memref<32768xf32, #tpu.memory_space<vmem>>[vector<16xi32>], vector<16xf32>,
        %add3A_99 = arith.constant 1 : i32
        %add3A_100 = vector.broadcast %add3A_99 : i32 to vector<16xi32>
        %add3A_101 = arith.addi %add3A_87, %add3A_100 : vector<16xi32>
        %add3A_102 = arith.constant 1 : i32
        %add3A_103 = vector.broadcast %add3A_102 : i32 to vector<16xi32>
        %add3A_104 = arith.addi %add3A_90, %add3A_103 : vector<16xi32>
        %add3A_105 = arith.constant 4 : i32
        %add3A_106 = arith.addi %mul3A_49, %add3A_105 : i32
        %get3A_107 = arith.index_cast %add3A_106 : i32 to index
        %get3A_108 = arith.index_cast %mul3A_25 : i32 to index
        %get3A_109 = tpu.vector_load %arg7[%get3A_107, %get3A_108] {strides = array<i32>} : memref<128x256xf32, #tpu.memory_space<vmem>>, vector<16xf32>,
        %gather3A_110 = tpu.vector_load_idx %arg5[%add3A_101, %min3A_31] : memref<128x128xf32, #tpu.memory_space<vmem>>[vector<16xi32>, vector<16xi32>], vector<16xf32>,
        %mul3A_111 = arith.mulf %get3A_109, %gather3A_110 : vector<16xf32>
        %mul3A_112 = arith.mulf %mul3A_111, %gather3A_110 : vector<16xf32>
        tpu.vector_store_idx %arg8[%add3A_104], %mul3A_112 : memref<32768xf32, #tpu.memory_space<vmem>>[vector<16xi32>], vector<16xf32>,
        %add3A_113 = arith.constant 1 : i32
        %add3A_114 = vector.broadcast %add3A_113 : i32 to vector<16xi32>
        %add3A_115 = arith.addi %add3A_101, %add3A_114 : vector<16xi32>
        %add3A_116 = arith.constant 1 : i32
        %add3A_117 = vector.broadcast %add3A_116 : i32 to vector<16xi32>
        %add3A_118 = arith.addi %add3A_104, %add3A_117 : vector<16xi32>
        %add3A_119 = arith.constant 5 : i32
        %add3A_120 = arith.addi %mul3A_49, %add3A_119 : i32
        %get3A_121 = arith.index_cast %add3A_120 : i32 to index
        %get3A_122 = arith.index_cast %mul3A_25 : i32 to index
        %get3A_123 = tpu.vector_load %arg7[%get3A_121, %get3A_122] {strides = array<i32>} : memref<128x256xf32, #tpu.memory_space<vmem>>, vector<16xf32>,
        %gather3A_124 = tpu.vector_load_idx %arg5[%add3A_115, %min3A_31] : memref<128x128xf32, #tpu.memory_space<vmem>>[vector<16xi32>, vector<16xi32>], vector<16xf32>,
        %mul3A_125 = arith.mulf %get3A_123, %gather3A_124 : vector<16xf32>
        %mul3A_126 = arith.mulf %mul3A_125, %gather3A_124 : vector<16xf32>
        tpu.vector_store_idx %arg8[%add3A_118], %mul3A_126 : memref<32768xf32, #tpu.memory_space<vmem>>[vector<16xi32>], vector<16xf32>,
        %add3A_127 = arith.constant 1 : i32
        %add3A_128 = vector.broadcast %add3A_127 : i32 to vector<16xi32>
        %add3A_129 = arith.addi %add3A_115, %add3A_128 : vector<16xi32>
        %add3A_130 = arith.constant 1 : i32
        %add3A_131 = vector.broadcast %add3A_130 : i32 to vector<16xi32>
        %add3A_132 = arith.addi %add3A_118, %add3A_131 : vector<16xi32>
        %add3A_133 = arith.constant 6 : i32
        %add3A_134 = arith.addi %mul3A_49, %add3A_133 : i32
        %get3A_135 = arith.index_cast %add3A_134 : i32 to index
        %get3A_136 = arith.index_cast %mul3A_25 : i32 to index
        %get3A_137 = tpu.vector_load %arg7[%get3A_135, %get3A_136] {strides = array<i32>} : memref<128x256xf32, #tpu.memory_space<vmem>>, vector<16xf32>,
        %gather3A_138 = tpu.vector_load_idx %arg5[%add3A_129, %min3A_31] : memref<128x128xf32, #tpu.memory_space<vmem>>[vector<16xi32>, vector<16xi32>], vector<16xf32>,
        %mul3A_139 = arith.mulf %get3A_137, %gather3A_138 : vector<16xf32>
        %mul3A_140 = arith.mulf %mul3A_139, %gather3A_138 : vector<16xf32>
        tpu.vector_store_idx %arg8[%add3A_132], %mul3A_140 : memref<32768xf32, #tpu.memory_space<vmem>>[vector<16xi32>], vector<16xf32>,
        %add3A_141 = arith.constant 1 : i32
        %add3A_142 = vector.broadcast %add3A_141 : i32 to vector<16xi32>
        %add3A_143 = arith.addi %add3A_129, %add3A_142 : vector<16xi32>
        %add3A_144 = arith.constant 1 : i32
        %add3A_145 = vector.broadcast %add3A_144 : i32 to vector<16xi32>
        %add3A_146 = arith.addi %add3A_132, %add3A_145 : vector<16xi32>
        %add3A_147 = arith.constant 7 : i32
        %add3A_148 = arith.addi %mul3A_49, %add3A_147 : i32
        %get3A_149 = arith.index_cast %add3A_148 : i32 to index
        %get3A_150 = arith.index_cast %mul3A_25 : i32 to index
        %get3A_151 = tpu.vector_load %arg7[%get3A_149, %get3A_150] {strides = array<i32>} : memref<128x256xf32, #tpu.memory_space<vmem>>, vector<16xf32>,
        %gather3A_152 = tpu.vector_load_idx %arg5[%add3A_143, %min3A_31] : memref<128x128xf32, #tpu.memory_space<vmem>>[vector<16xi32>, vector<16xi32>], vector<16xf32>,
        %mul3A_153 = arith.mulf %get3A_151, %gather3A_152 : vector<16xf32>
        %mul3A_154 = arith.mulf %mul3A_153, %gather3A_152 : vector<16xf32>
        tpu.vector_store_idx %arg8[%add3A_146], %mul3A_154 : memref<32768xf32, #tpu.memory_space<vmem>>[vector<16xi32>], vector<16xf32>,
        %add3A_155 = arith.constant 1 : i32
        %add3A_156 = vector.broadcast %add3A_155 : i32 to vector<16xi32>
        %add3A_157 = arith.addi %add3A_143, %add3A_156 : vector<16xi32>
        %add3A_158 = arith.constant 1 : i32
        %add3A_159 = vector.broadcast %add3A_158 : i32 to vector<16xi32>
        %add3A_160 = arith.addi %add3A_146, %add3A_159 : vector<16xi32>
        scf.yield %add3A_157, %add3A_160 : vector<16xi32>, vector<16xi32>
      }
      %scan3A_44 = arith.constant 16 : i32
    }
    %scan3A_20 = arith.constant 16 : i32
    %mul3A_21 = arith.constant 128 : i32
    %mul3A_22 = arith.muli %add3A_14, %mul3A_21 : i32
    "tpu.region"() ({
      %run_scoped3A = tpu.sem_alloc : memref<!tpu.dma_semaphore, #tpu.memory_space<semaphore_mem>>
      %dma_start3A = tpu.memref_slice %arg4[%mul3A_22] : memref<2097152xf32, #tpu.memory_space<hbm>> -> memref<32768xf32, #tpu.memory_space<hbm>>
      %dma_start3A_23 = tpu.memref_slice %arg4[%mul3A_22] : memref<2097152xf32, #tpu.memory_space<hbm>> -> memref<32768xf32, #tpu.memory_space<hbm>>
      tpu.enqueue_dma source(%arg8 : memref<32768xf32, #tpu.memory_space<vmem>>) target(%dma_start3A_23 : memref<32768xf32, #tpu.memory_space<hbm>>) target_semaphore(%run_scoped3A : memref<!tpu.dma_semaphore, #tpu.memory_space<semaphore_mem>>)
      %dma_wait3A = tpu.memref_slice %arg4[%mul3A_22] : memref<2097152xf32, #tpu.memory_space<hbm>> -> memref<32768xf32, #tpu.memory_space<hbm>>
      %dma_wait3A_24 = tpu.memref_slice %arg4[%mul3A_22] : memref<2097152xf32, #tpu.memory_space<hbm>> -> memref<32768xf32, #tpu.memory_space<hbm>>
      tpu.wait_dma2 semaphore(%run_scoped3A : memref<!tpu.dma_semaphore, #tpu.memory_space<semaphore_mem>>) src(%arg8 : memref<32768xf32, #tpu.memory_space<vmem>>) dst(%dma_wait3A_24 : memref<32768xf32, #tpu.memory_space<hbm>>)
      tpu.yield
    }) : () -> ()
    return
  }
}

</mosaic_0001>

<sc_bundles>
// kernel: kernel.3.cloned.1.call-start
scs
__scs_entry_jumppad:
0x0: {  	(pc) =	sbr.rel $0x88, $3  }
0x1: {  	(tag) =	ssettag $0x0;
	lr =	simm.s32 $0x1  }
0x2: {  	[smem:$0x3F9F] =	sst lr;
	_ =	strace $0xD0000000  }
0x3: {  	_ = 	snop  }
0x4: {  	_ = 	snop  }
0x5: {  	_ = 	snop  }
0x6: {  	_ = 	snop  }
0x7: {  	_ = 	snop  }
__scs_overlays_trampoline_lowered:
0x8: {  	[smem:$0x3FAE] =	sst s0  }
0x9: {  	[smem:$0x3FAF] =	sst s1  }
0xa: {  	[smem:$0x3FB0] =	sst s2  }
0xb: {  	[smem:$0x3FB1] =	sst s3  }
0xc: {  	[smem:$0x3FB2] =	sst s4  }
0xd: {  	[smem:$0x3FB3] =	sst s5  }
0xe: {  	[smem:$0x3FB4] =	sst s6  }
0xf: {  	[smem:$0x3FB5] =	sst s7  }
0x10: {  	[smem:$0x3FB6] =	sst s8  }
0x11: {  	[smem:$0x3FB7] =	sst s9;
	s0 =	simm.s32 @!p0 $0x0  }
0x12: {  	s1 =	sld [smem:$0x3F9D];
	s0 =	simm.s32 @p0 $0x1  }
0x13: {  	[smem:$0x3FB8] =	sst s0;
	s0 =	simm.s32 @!p1 $0x0  }
0x14: {  	s2 =	sld [smem:$0x3F9C];
	s0 =	simm.s32 @p1 $0x1  }
0x15: {  	[smem:$0x3FB9] =	sst s0;
	s0 =	simm.s32 @!p2 $0x0  }
0x16: {  	s3 =	sld [smem:$0x3FDB];
	s0 =	simm.s32 @p2 $0x1  }
0x17: {  	s4 =	simm.s32 $0x1BF5;
	[smem:$0x3FBB] =	sst s0  }
0x18: {  	s0 =	sld [smem:$0x3F9E];
	_ =	swait.ge [sflag:s4], $0x0  }
0x19: {  	s7 =	sld [smem:$0x3F9F]  }
0x1a: {  	s8 =	sadd.s32 $0xFFFFE003, lr  }
0x1b: {  	s9 =	sadd.s32 $0xFFFFFEF7, lr;
	s5 =	simm.s32 $0xFFFFFFFF;
	p2 =	slt.u32 s8, $0xFFFFF086  }
0x1c: {  	p1 =	slt.u32 s9, $0xF7A;
	s5 =	simm.s32 @!p2 $0x0  }
0x1d: {  	s5 =	simm.s32 @p1 $0x1;
	p0 =	seq.s32 s7, s2  }
0x1e: {  	s7 =	smul.u32 @!p0 $0xF7A, s2;
	p2 =	seq.s32 @!p0 s5, $0x0  }
0x1f: {  	s9 =	smul.u32 $0xF7A, s1;
	s8 =	simm.s32 @!p0 $0x1BF5;
	p2 =	por !p2, p0  }
0x20: {  	[sflag:s8] =	ssyncset.s32 @!p0 $0xFFFFF086;
	s6 =	sadd.s32 @!p0 s3, s7;
	s7 =	simm.s32 @!p0 $0x108  }
0x21: {  	s3 =	sadd.s32 s3, s9;
	s6 =	sadd.s32 @!p0 $0x88, s6;
	s7 =	simm.s32 @p2 $0x1082  }
0x22: {  	[simem:s7], [sflag:s8] =	dma.local @!p0 [hbm:s6], $0xF7A  }
0x23: {  	s9 =	sor.u32 $0xD0000000, s2;
	s6 =	simm.s32 $0x108;
	_ =	swait.ge @!p0 [sflag:s8], $0x0  }
0x24: {  	s3 =	sadd.s32 $0x88, s3;
	s6 =	simm.s32 @!p1 $0x1082;
	[sflag:s4] =	ssyncset.s32 $0xFFFFF086  }
0x25: {  	[simem:s6], [sflag:s4] =	dma.local [hbm:s3], $0xF7A  }
0x26: {  	[smem:$0x3F9F] =	sst s1;
	(tag) =	ssettag s2;
	_ =	strace s9  }
0x27: {  	s1 =	sld [smem:$0x3FAF]  }
0x28: {  	s2 =	sld [smem:$0x3FB0]  }
0x29: {  	s4 =	sld [smem:$0x3FB2]  }
0x2a: {  	p0 =	seq.s32 s5, $0x0;
	s5 =	sld [smem:$0x3FB3]  }
0x2b: {  	s6 =	sld [smem:$0x3FB4]  }
0x2c: {  	s7 =	sld [smem:$0x3FB5]  }
0x2d: {  	s3 =	simm.s32 $0x108;
	s8 =	sld [smem:$0x3FB6]  }
0x2e: {  	s3 =	simm.s32 @!p0 $0x1082;
	s9 =	sld [smem:$0x3FB7]  }
0x2f: {  	lr =	sadd.s32 s0, s3;
	s0 =	sld [smem:$0x3FAE]  }
0x30: {  	s3 =	sld [smem:$0x3FB1]  }
0x31: {  	[smem:$0x3FBA] =	sst s10  }
0x32: {  	s10 =	sld [smem:$0x3FB8];
	_ =	sdelay $0x3  }
0x33: {  	p0 =	seq.s32 s10, $0x1;
	s10 =	sld [smem:$0x3FBA];
	_ =	sdelay $0x3  }
0x34: {  	[smem:$0x3FBA] =	sst s10  }
0x35: {  	s10 =	sld [smem:$0x3FB9];
	_ =	sdelay $0x3  }
0x36: {  	p1 =	seq.s32 s10, $0x1;
	s10 =	sld [smem:$0x3FBA];
	_ =	sdelay $0x3  }
0x37: {  	[smem:$0x3FBA] =	sst s10  }
0x38: {  	s10 =	sld [smem:$0x3FBB]  }
0x39: {  	_ = 	snop;
	(pc) =	sbr.ind lr, $3  }
0x3a: {  	_ = 	snop  }
0x3b: {  	_ = 	snop  }
0x3c: {  	p2 =	seq.s32 s10, $0x1;
	s10 =	sld [smem:$0x3FBA]  }
0x3d: {  	_ =	shalt  }
0x3e: {  	_ =	shalt  }
0x3f: {  	_ =	shalt  }
0x40: {  	_ =	shalt  }
0x41: {  	_ =	shalt  }
0x42: {  	_ =	shalt  }
0x43: {  	_ =	shalt  }
0x44: {  	_ =	shalt  }
0x45: {  	_ =	shalt  }
0x46: {  	_ =	shalt  }
0x47: {  	_ =	shalt  }
0x48: {  	_ =	shalt  }
0x49: {  	_ =	shalt  }
0x4a: {  	_ =	shalt  }
0x4b: {  	_ =	shalt  }
0x4c: {  	_ =	shalt  }
0x4d: {  	_ =	shalt  }
0x4e: {  	_ =	shalt  }
0x4f: {  	_ =	shalt  }
0x50: {  	_ =	shalt  }
0x51: {  	_ =	shalt  }
0x52: {  	_ =	shalt  }
0x53: {  	_ =	shalt  }
0x54: {  	_ =	shalt  }
0x55: {  	_ =	shalt  }
0x56: {  	_ =	shalt  }
0x57: {  	_ =	shalt  }
0x58: {  	_ =	shalt  }
0x59: {  	_ =	shalt  }
0x5a: {  	_ =	shalt  }
0x5b: {  	_ =	shalt  }
0x5c: {  	_ =	shalt  }
0x5d: {  	_ =	shalt  }
0x5e: {  	_ =	shalt  }
0x5f: {  	_ =	shalt  }
0x60: {  	_ =	shalt  }
0x61: {  	_ =	shalt  }
0x62: {  	_ =	shalt  }
0x63: {  	_ =	shalt  }
0x64: {  	_ =	shalt  }
0x65: {  	_ =	shalt  }
0x66: {  	_ =	shalt  }
0x67: {  	_ =	shalt  }
0x68: {  	_ =	shalt  }
0x69: {  	_ =	shalt  }
0x6a: {  	_ =	shalt  }
0x6b: {  	_ =	shalt  }
0x6c: {  	_ =	shalt  }
0x6d: {  	_ =	shalt  }
0x6e: {  	_ =	shalt  }
0x6f: {  	_ =	shalt  }
0x70: {  	_ =	shalt  }
0x71: {  	_ =	shalt  }
0x72: {  	_ =	shalt  }
0x73: {  	_ =	shalt  }
0x74: {  	_ =	shalt  }
0x75: {  	_ =	shalt  }
0x76: {  	_ =	shalt  }
0x77: {  	_ =	shalt  }
0x78: {  	_ =	shalt  }
0x79: {  	_ =	shalt  }
0x7a: {  	_ =	shalt  }
0x7b: {  	_ =	shalt  }
0x7c: {  	_ =	shalt  }
0x7d: {  	_ =	shalt  }
0x7e: {  	_ =	shalt  }
0x7f: {  	_ =	shalt  }
0x80: {  	_ =	shalt  }
0x81: {  	_ =	shalt  }
0x82: {  	_ =	shalt  }
0x83: {  	_ =	shalt  }
0x84: {  	_ =	shalt  }
0x85: {  	_ =	shalt  }
0x86: {  	_ =	shalt  }
0x87: {  	_ =	shalt  }
.Lfunc_end0:
.L_simem_size_0:
called_computation_lowered:
.L_overlay_start_0:
0x88: {  	s2 =	sld [smem:$0x3FD9]  }
0x89: {  	s3 =	sld [smem:$0x3FFE];
	_ =	sdelay $0x1  }
0x8a: {  	s1 =	srdreg.scid  }
0x8b: {  	s0 =	sand.u32 $0x1, s1  }
0x8c: {  	s18 =	sshll.u32 s0, $0xA;
	s2 =	sadd.s32 s3, s2  }
0x8d: {  	s2 =	sadd.s32 s2, s18  }
0x8e: {  	[smem:$0x3FC6] =	sst s2  }
0x8f: {  	_ = 	snop  }
0x90: {  	s2 =	sld [smem:$0x3FC9]  }
0x91: {  	s19 =	sld [smem:$0x3FC8]  }
0x92: {  	s4 =	sld [smem:$0x3FD0];
	(tm) =	ssettm $0x1  }
0x93: {  	s5 =	sld [smem:$0x3FFB];
	_ =	sdelay $0x3  }
0x94: {  	_ =	strace s5  }
0x95: {  	s5 =	sld [smem:$0x3FFC];
	_ =	sdelay $0x3  }
0x96: {  	_ =	strace s5  }
0x97: {  	s5 =	sld [smem:$0x3FFD];
	_ =	sdelay $0x3  }
0x98: {  	_ =	strace s5  }
0x99: {  	_ =	strace $0x8FFFFFFF  }
0x9a: {  	s20 =	sld [smem:$0x3FDB];
	_ =	sdelay $0x1  }
0x9b: {  	s6 =	simm.s32 $_scs_section_size  }
0x9c: {  	s7 =	simm.s32 $_size__tile_overlayer_lowered;
	s8 =	simm.s32 $_tile_overlayer_lowered  }
0x9d: {  	s23 =	simm.s32 $0x1BFF;
	s22 =	sshll.u32 s8, $0x1;
	s5 =	sadd.s32 s6, s20  }
0x9e: {  	s9 =	simm.s32 $0x0;
	s21 =	sshll.u32 s7, $0x1;
	s7 =	sadd.s32 s22, s5  }
0x9f: {  	[timem:s9], [sflag:s23] =	dma.local [hbm:s7], s21  }
0xa0: {  	_ =	swait.ge [sflag:s23], s21  }
0xa1: {  	s6 =	ssub.s32 $0x0, s21;
	[sflag:s23] =	ssyncset.done $0x0  }
0xa2: {  	[sflag:s23] =	ssyncadd.s32 s6;
	_ =	sdelay $0x1  }
0xa3: {  	s24 =	simm.s32 $0x1B8B  }
0xa4: {  	_ =	swait.ge [sflag:s24], $0x1  }
0xa5: {  	[sflag:s24] =	ssyncset.done $0x0  }
0xa6: {  	s25 =	simm.s32 $0x1B8E;
	[sflag:s24] =	ssyncadd.s32 $0xFFFFFFFF  }
0xa7: {  	s26 =	simm.s32 $execute0_lowered;
	[smem:$0x3FD2] =	sst s25  }
0xa8: {  	s6 =	sshll.u32 s26, $0x1;
	_ =	strace $0x80000046;
	[dreg:$0x1] =	wrdreg $0xFFFFFFFF  }
0xa9: {  	s28 =	simm.s32 $_size_execute0_lowered;
	s5 =	sadd.s32 s5, s6;
	[dreg:$0x0] =	wrdreg $0x0  }
0xaa: {  	s6 =	sshll.u32 s28, $0x1;
	[dreg:$0x2] =	wrdreg s5  }
0xab: {  	[dreg:$0x3] =	wrdreg s6  }
0xac: {  	[dreg:$0x4] =	wrdreg $0xC0  }
0xad: {  	_ =	task [dreg:s9], $0x5FFFF  }
0xae: {  	[dreg:$0x1] =	wrdreg $0xFFFFFFFF  }
0xaf: {  	[dreg:$0x0] =	wrdreg $0x60  }
0xb0: {  	[dreg:$0x2] =	wrdreg s2  }
0xb1: {  	[dreg:$0x3] =	wrdreg s19  }
0xb2: {  	[dreg:$0x4] =	wrdreg s4  }
0xb3: {  	[dreg:$0x5] =	wrdreg $0x9  }
0xb4: {  	_ =	task.clear_ibuf [dreg:s9], $0x6FFFF;
	_ =	strace $0x90000046  }
0xb5: {  	s29 =	simm.s32 $0x9;
	_ =	strace $0x80000048  }
0xb6: {  	_ =	swait.ge [sflag:s29], $0x1  }
0xb7: {  	[sflag:s29] =	ssyncadd.s32 $0xFFFFFFFF  }
0xb8: {  	_ =	strace $0x90000048  }
0xb9: {  	_ =	sfence  }
0xba: {  	s30 =	sld [smem:$0x0];
	_ =	sdelay $0x2  }
0xbb: {  	s31 =	sshll.u32 s1, $0xD;
	s1 =	sshrl.u32 s1, $0x2  }
0xbc: {  	s3 =	sand.u32 $0x4000, s31;
	s1 =	sadd.s32 s1, s30  }
0xbd: {  	s0 =	sor.u32 s3, s0;
	s1 =	sshll.u32 s1, $0x11  }
0xbe: {  	s0 =	sor.u32 s1, s0  }
0xbf: {  	s0 =	sadd.s32 $0x8F2B, s0  }
0xc0: {  	[sflag:s0] =	ssyncadd.remote.s32 $0x1  }
0xc1: {  	_ =	sfence.sel $0xFFFF  }
0xc2: {  	[dreg:$0x0] =	wrdreg $0xFFFFFFFF;
	(pc) =	sbr.abs _section_cstart, $3  }
0xc3: {  	[dreg:$0x1] =	wrdreg $0xFFFFFFFF  }
0xc4: {  	_ =	task.clear_ibuf [dreg:s9], $0x2FFFF;
	_ =	strace $0x9FFFFFFF  }
0xc5: {  	(tm) =	ssettm $0x7FFFFFFF  }
tec
execute0_lowered:
.L_overlay_start_1:
0x0: {  	(tag) =	ssettag $0x1  }
0x1: {  	s1 =	rddreg [dreg:$0x0]  }
0x2: {  	s4 =	rddreg [dreg:$0x1]  }
0x3: {  	s8 =	rddreg [dreg:$0x2]  }
0x4: {  	s0 =	rddreg [dreg:$0x3]  }
0x5: {  	s3 =	simm.s32 $0x0;
	s5 =	srdreg.scid;
	s2 =	stileid.u32  }
0x6: {  	s12 =	simm.s32 $0x1;
	s13 =	simm.s32 $0x4000;
	s14 =	simm.s32 $0x800  }
0x7: {  	s15 =	simm.s32 $0x4200;
	s16 =	simm.s32 $0xC200;
	s17 =	simm.s32 $0x0  }
0x8: {  	[smem:$0x7FF] =	sst s3;
	s5 =	sand.u32 $0x1, s5;
	s6 =	sshll.u32 s2, $0x1  }
0x9: {  	_ =	strace $0x80000047;
	s7 =	ssub.s32 $0x2, s5;
	s6 =	sor.u32 s5, s6  }
0xa: {  	s29 =	sshrl.u32 s7, $0x1;
	s9 =	sshll.u32 s6, $0x9;
	s10 =	sshll.u32 s6, $0x6  }
0xb: {  	s6 =	sshll.u32 s6, $0xD;
	s11 =	ssub.s32 s7, s29;
	s4 =	sadd.s32 s4, s10  }
0xc: {  	s30 =	sor.u32 $0x100, s9;
	s5 =	sadd.s32 s1, s9;
	s6 =	sadd.s32 s8, s6  }
0xd: {  	v0 =	vlaneseq.u32;
	s10 =	simm.s32 $0x400;
	s31 =	sshll.u32 s30, $0x4;
	s7 =	sadd.s32 s1, s30  }
0xe: {  	v0 =	vmul.u32 $0x80, v0;
	s9 =	smax.u32 s11, $0x1;
	s11 =	simm.s32 $0x20000;
	s8 =	sadd.s32 s8, s31  }
.LBB2_1:
0xf: {  	[tilespmem:s3], [sflag:$0x1] =	stream.strided.gather [hbm4b:s1+s10], $0x4000, s11, s10, $0x38;
	[tilespmem:$0x14200] =	vst v63  }
0x10: {  	_ =	swait.ge [sflag:s12], $0x4000  }
0x11: {  	[sflag:s12] =	ssyncset.done $0x0  }
0x12: {  	[sflag:s12] =	ssyncadd.s32 $0xFFFFC000  }
0x13: {  	[tilespmem:s13], [sflag:$0x1] =	stream.linear.gather [hbm4b:s4+s3], $0x200, $0x38;
	[tilespmem:$0x14200] =	vst v63  }
0x14: {  	_ =	swait.ge [sflag:s12], $0x200  }
0x15: {  	[sflag:s12] =	ssyncset.done $0x0  }
0x16: {  	[sflag:s12] =	ssyncadd.s32 $0xFFFFFE00  }
0x17: {  	[tilespmem:s15], [sflag:$0x1] =	stream.strided.gather [hbm4b:s5+s14], $0x8000, s11, s14, $0x38;
	[tilespmem:$0x14200] =	vst v63  }
0x18: {  	_ =	swait.ge [sflag:s12], $0x8000  }
0x19: {  	s18 =	simm.s32 $0x0;
	[sflag:s12] =	ssyncset.done $0x0  }
0x1a: {  	s19 =	simm.s32 $0x0;
	s20 =	simm.s32 $0x0;
	[sflag:s12] =	ssyncadd.s32 $0xFFFF8000  }
.LBB2_2:
0x1b: {  	s21 =	sshll.u32 s20, $0x4  }
0x1c: {  	v1 =	vld [tilespmem:s21+$0x4000];
	_ =	sdelay $0x1  }
0x1d: {  	s29 =	sshll.u32 s19, $0x2;
	s22 =	sand.u32 $0x7, s18  }
0x1e: {  	s21 =	sand.u32 $0xFFFFF000, s29;
	s22 =	sshll.u32 s22, $0x6  }
0x1f: {  	s21 =	sor.u32 s22, s21  }
0x20: {  	s21 =	sshrl.u32 s21, $0x2;
	vm0 =	vgt.s32 v1, $0x0  }
0x21: {  	s21 =	sadd.s32 $0x4400, s21;
	v2 =	vnsel vm0, $0x0, v1;
	v1 =	vimm.s32 $0x0  }
0x22: {  	v3 =	vmov s21;
	v2 =	vmin.u32 v2, $0x3F;
	v12 =	vshll.u32 v1, $0x7  }
0x23: {  	v4 =	vor.u32 v2, v12;
	_ =	sdelay $0x2  }
0x24: {  	s30 =	simm.s32 $0x0  }
0x25: {  	v6 =	vld.idx.msk [tilespmem:v3+s30+$0xFFFFFE00 ss:$0x1], $0xffff  }
0x26: {  	v7 =	vld.idx.msk [tilespmem:v4+s3+$0x0], $0xffff;
	_ =	sdelay $0x2  }
0x27: {  	s31 =	sshll.u32 s20, $0xB  }
0x28: {  	v4 =	vor.u32 s31, v0  }
0x29: {  	v5 =	vor.u32 $0x80, v2;
	v6 =	vmul.f32 v7, v6  }
0x2a: {  	v8 =	vor.u32 v12, v5  }
0x2b: {  	v6 =	vmul.f32 v6, v7;
	_ =	sdelay $0x1  }
0x2c: {  	[tilespmem:v4+s16+$0x0] =	vst.idx.msk $0xffff, v6  }
0x2d: {  	v7 =	vld.idx.msk [tilespmem:v3+s30+$0xFFFFFE80 ss:$0x1], $0xffff  }
0x2e: {  	v8 =	vld.idx.msk [tilespmem:v8+s3+$0x0], $0xffff;
	_ =	sdelay $0x3  }
0x2f: {  	v9 =	vor.u32 $0x1, v4  }
0x30: {  	v6 =	vor.u32 $0x100, v2;
	v7 =	vmul.f32 v8, v7  }
0x31: {  	v10 =	vor.u32 v12, v6  }
0x32: {  	v7 =	vmul.f32 v7, v8;
	_ =	sdelay $0x1  }
0x33: {  	[tilespmem:v9+s16+$0x0] =	vst.idx.msk $0xffff, v7  }
0x34: {  	v8 =	vld.idx.msk [tilespmem:v3+s30+$0xFFFFFF00 ss:$0x1], $0xffff  }
0x35: {  	v9 =	vld.idx.msk [tilespmem:v10+s3+$0x0], $0xffff;
	_ =	sdelay $0x3  }
0x36: {  	v10 =	vor.u32 $0x2, v4  }
0x37: {  	v7 =	vor.u32 $0x180, v2;
	v8 =	vmul.f32 v9, v8  }
0x38: {  	v11 =	vor.u32 v12, v7  }
0x39: {  	v8 =	vmul.f32 v8, v9;
	_ =	sdelay $0x1  }
0x3a: {  	[tilespmem:v10+s16+$0x0] =	vst.idx.msk $0xffff, v8  }
0x3b: {  	v9 =	vld.idx.msk [tilespmem:v3+s30+$0xFFFFFF80 ss:$0x1], $0xffff  }
0x3c: {  	v10 =	vld.idx.msk [tilespmem:v11+s3+$0x0], $0xffff;
	_ =	sdelay $0x3  }
0x3d: {  	v11 =	vor.u32 $0x3, v4  }
0x3e: {  	v8 =	vor.u32 $0x200, v2;
	v9 =	vmul.f32 v10, v9  }
0x3f: {  	v13 =	vor.u32 v12, v8  }
0x40: {  	v9 =	vmul.f32 v9, v10;
	_ =	sdelay $0x1  }
0x41: {  	[tilespmem:v11+s16+$0x0] =	vst.idx.msk $0xffff, v9  }
0x42: {  	v10 =	vld.idx.msk [tilespmem:v3+s30+$0x0 ss:$0x1], $0xffff  }
0x43: {  	v11 =	vld.idx.msk [tilespmem:v13+s3+$0x0], $0xffff;
	_ =	sdelay $0x3  }
0x44: {  	v13 =	vor.u32 $0x4, v4  }
0x45: {  	v9 =	vor.u32 $0x280, v2;
	v10 =	vmul.f32 v11, v10  }
0x46: {  	v14 =	vor.u32 v12, v9  }
0x47: {  	v10 =	vmul.f32 v10, v11;
	_ =	sdelay $0x1  }
0x48: {  	[tilespmem:v13+s16+$0x0] =	vst.idx.msk $0xffff, v10  }
0x49: {  	v11 =	vld.idx.msk [tilespmem:v3+s30+$0x80 ss:$0x1], $0xffff  }
0x4a: {  	v13 =	vld.idx.msk [tilespmem:v14+s3+$0x0], $0xffff;
	_ =	sdelay $0x3  }
0x4b: {  	v14 =	vor.u32 $0x5, v4  }
0x4c: {  	v10 =	vor.u32 $0x300, v2;
	v11 =	vmul.f32 v13, v11  }
0x4d: {  	v15 =	vor.u32 v12, v10  }
0x4e: {  	v11 =	vmul.f32 v11, v13;
	_ =	sdelay $0x1  }
0x4f: {  	[tilespmem:v14+s16+$0x0] =	vst.idx.msk $0xffff, v11  }
0x50: {  	v13 =	vld.idx.msk [tilespmem:v3+s30+$0x100 ss:$0x1], $0xffff  }
0x51: {  	v14 =	vld.idx.msk [tilespmem:v15+s3+$0x0], $0xffff;
	_ =	sdelay $0x3  }
0x52: {  	v15 =	vor.u32 $0x6, v4  }
0x53: {  	v11 =	vor.u32 $0x380, v2;
	v13 =	vmul.f32 v14, v13  }
0x54: {  	v12 =	vor.u32 v12, v11  }
0x55: {  	v13 =	vmul.f32 v13, v14;
	_ =	sdelay $0x1  }
0x56: {  	[tilespmem:v15+s16+$0x0] =	vst.idx.msk $0xffff, v13  }
0x57: {  	v14 =	vld.idx.msk [tilespmem:v3+s30+$0x180 ss:$0x1], $0xffff  }
0x58: {  	s21 =	simm.s32 $0x2000;
	v13 =	vor.u32 $0x7, v4;
	v15 =	vld.idx.msk [tilespmem:v12+s3+$0x0], $0xffff  }
.LBB2_3:
0x59: {  	_ = 	snop  }
0x5a: {  	p0 =	sne.s32 s21, $0x1E000;
	v1 =	vadd.s32 $0x8, v1;
	v4 =	vadd.s32 $0x8, v4;
	s22 =	smov.u32 s21;
	s21 =	sadd.s32 $0x2000, s21  }
0x5b: {  	_ =	sdelay $0x1  }
0x5c: {  	v12 =	vshll.u32 v1, $0x7;
	v14 =	vmul.f32 v15, v14  }
0x5d: {  	v16 =	vor.u32 v2, v12  }
0x5e: {  	v14 =	vmul.f32 v14, v15;
	_ =	sdelay $0x1  }
0x5f: {  	s22 =	sshra.s32 s22, $0x2;
	[tilespmem:v13+s16+$0x0] =	vst.idx.msk $0xffff, v14  }
0x60: {  	v13 =	vld.idx.msk [tilespmem:v3+s22+$0xFFFFFE00 ss:$0x1], $0xffff  }
0x61: {  	v14 =	vld.idx.msk [tilespmem:v16+s3+$0x0], $0xffff;
	_ =	sdelay $0x5  }
0x62: {  	v15 =	vor.u32 v12, v5;
	v13 =	vmul.f32 v14, v13;
	_ =	sdelay $0x1  }
0x63: {  	v13 =	vmul.f32 v13, v14;
	_ =	sdelay $0x1  }
0x64: {  	[tilespmem:v4+s16+$0x0] =	vst.idx.msk $0xffff, v13  }
0x65: {  	v13 =	vld.idx.msk [tilespmem:v3+s22+$0xFFFFFE80 ss:$0x1], $0xffff  }
0x66: {  	v14 =	vld.idx.msk [tilespmem:v15+s3+$0x0], $0xffff;
	_ =	sdelay $0x3  }
0x67: {  	v15 =	vor.u32 $0x1, v4;
	_ =	sdelay $0x1  }
0x68: {  	v16 =	vor.u32 v12, v6;
	v13 =	vmul.f32 v14, v13;
	_ =	sdelay $0x1  }
0x69: {  	v13 =	vmul.f32 v13, v14;
	_ =	sdelay $0x1  }
0x6a: {  	[tilespmem:v15+s16+$0x0] =	vst.idx.msk $0xffff, v13  }
0x6b: {  	v13 =	vld.idx.msk [tilespmem:v3+s22+$0xFFFFFF00 ss:$0x1], $0xffff  }
0x6c: {  	v14 =	vld.idx.msk [tilespmem:v16+s3+$0x0], $0xffff;
	_ =	sdelay $0x2  }
0x6d: {  	v15 =	vor.u32 $0x2, v4;
	_ =	sdelay $0x2  }
0x6e: {  	v16 =	vor.u32 v12, v7;
	v13 =	vmul.f32 v14, v13;
	_ =	sdelay $0x1  }
0x6f: {  	v13 =	vmul.f32 v13, v14;
	_ =	sdelay $0x1  }
0x70: {  	[tilespmem:v15+s16+$0x0] =	vst.idx.msk $0xffff, v13  }
0x71: {  	v13 =	vld.idx.msk [tilespmem:v3+s22+$0xFFFFFF80 ss:$0x1], $0xffff  }
0x72: {  	v14 =	vld.idx.msk [tilespmem:v16+s3+$0x0], $0xffff;
	_ =	sdelay $0x1  }
0x73: {  	v15 =	vor.u32 $0x3, v4;
	_ =	sdelay $0x3  }
0x74: {  	v16 =	vor.u32 v12, v8;
	v13 =	vmul.f32 v14, v13;
	_ =	sdelay $0x1  }
0x75: {  	v13 =	vmul.f32 v13, v14;
	_ =	sdelay $0x1  }
0x76: {  	[tilespmem:v15+s16+$0x0] =	vst.idx.msk $0xffff, v13  }
0x77: {  	v13 =	vld.idx.msk [tilespmem:v3+s22+$0x0 ss:$0x1], $0xffff  }
0x78: {  	v14 =	vld.idx.msk [tilespmem:v16+s3+$0x0], $0xffff  }
0x79: {  	v15 =	vor.u32 $0x4, v4;
	_ =	sdelay $0x4  }
0x7a: {  	v16 =	vor.u32 v12, v9;
	v13 =	vmul.f32 v14, v13;
	_ =	sdelay $0x1  }
0x7b: {  	v13 =	vmul.f32 v13, v14;
	_ =	sdelay $0x1  }
0x7c: {  	[tilespmem:v15+s16+$0x0] =	vst.idx.msk $0xffff, v13  }
0x7d: {  	v13 =	vld.idx.msk [tilespmem:v3+s22+$0x80 ss:$0x1], $0xffff  }
0x7e: {  	v14 =	vor.u32 $0x5, v4;
	v15 =	vld.idx.msk [tilespmem:v16+s3+$0x0], $0xffff;
	_ =	sdelay $0x5  }
0x7f: {  	v16 =	vor.u32 v12, v10;
	v13 =	vmul.f32 v15, v13;
	_ =	sdelay $0x1  }
0x80: {  	v13 =	vmul.f32 v13, v15;
	_ =	sdelay $0x1  }
0x81: {  	[tilespmem:v14+s16+$0x0] =	vst.idx.msk $0xffff, v13  }
0x82: {  	v13 =	vor.u32 $0x6, v4;
	v14 =	vld.idx.msk [tilespmem:v3+s22+$0x100 ss:$0x1], $0xffff  }
0x83: {  	v15 =	vld.idx.msk [tilespmem:v16+s3+$0x0], $0xffff;
	_ =	sdelay $0x5  }
0x84: {  	v12 =	vor.u32 v12, v11;
	v14 =	vmul.f32 v15, v14;
	_ =	sdelay $0x1  }
.Ltmp0:
0x85: {  	v14 =	vmul.f32 v14, v15;
	(pc) =	sbr.rel @p0 .LBB2_3-.Ltmp0, $4  }
0x86: {  	_ = 	snop  }
0x87: {  	[tilespmem:v13+s16+$0x0] =	vst.idx.msk $0xffff, v14;
	v13 =	vor.u32 $0x7, v4  }
0x88: {  	v14 =	vld.idx.msk [tilespmem:v3+s22+$0x180 ss:$0x1], $0xffff  }
0x89: {  	v15 =	vld.idx.msk [tilespmem:v12+s3+$0x0], $0xffff  }
0x8a: {  	_ =	sdelay $0x1  }
0x8b: {  	s20 =	sadd.s32 $0x1, s20  }
0x8c: {  	p0 =	sne.s32 s20, $0x10  }
.Ltmp1:
0x8d: {  	v1 =	vmul.f32 v15, v14;
	(pc) =	sbr.rel @p0 .LBB2_2-.Ltmp1, $3  }
0x8e: {  	_ = 	snop  }
0x8f: {  	v1 =	vmul.f32 v1, v15;
	_ =	sdelay $0x1  }
0x90: {  	s19 =	sadd.s32 $0x80, s19;
	s18 =	sadd.s32 $0x1, s18;
	[tilespmem:v13+s16+$0x0] =	vst.idx.msk $0xffff, v1  }
0x91: {  	s18 =	simm.s32 $0x0  }
0x92: {  	[hbm4b:s6+s18] =	stream.linear.scatter [tilespmem:s16], [sflag:$0x1], $0x8000, $0x38;
	[tilespmem:$0x14200] =	vst v63  }
0x93: {  	_ =	swait.ge [sflag:s12], $0x8000  }
0x94: {  	[sflag:s12] =	ssyncset.done $0x0  }
0x95: {  	[sflag:s12] =	ssyncadd.s32 $0xFFFF8000  }
0x96: {  	[tilespmem:s15], [sflag:$0x1] =	stream.strided.gather [hbm4b:s7+s14], $0x8000, s11, s14, $0x38;
	[tilespmem:$0x14200] =	vst v63  }
0x97: {  	_ =	swait.ge [sflag:s12], $0x8000  }
0x98: {  	[sflag:s12] =	ssyncset.done $0x0  }
0x99: {  	s19 =	simm.s32 $0x0;
	s20 =	simm.s32 $0x0;
	[sflag:s12] =	ssyncadd.s32 $0xFFFF8000  }
.LBB2_6:
0x9a: {  	s21 =	sshll.u32 s20, $0x4  }
0x9b: {  	s21 =	sand.u32 $0xF0, s21  }
0x9c: {  	v1 =	vld [tilespmem:s21+$0x4100];
	_ =	sdelay $0x1  }
0x9d: {  	s29 =	sshll.u32 s19, $0x2;
	s22 =	sand.u32 $0x7, s18  }
0x9e: {  	s22 =	sshll.u32 s22, $0x6;
	s21 =	sand.u32 $0xFFFFF000, s29  }
0x9f: {  	s21 =	sor.u32 s22, s21  }
0xa0: {  	s21 =	sshrl.u32 s21, $0x2;
	vm0 =	vgt.s32 v1, $0x0  }
0xa1: {  	s21 =	sadd.s32 $0x4400, s21;
	v2 =	vnsel vm0, $0x0, v1;
	v1 =	vimm.s32 $0x0  }
0xa2: {  	v3 =	vmov s21;
	v2 =	vmin.u32 v2, $0x3F;
	v12 =	vshll.u32 v1, $0x7  }
0xa3: {  	v4 =	vor.u32 v2, v12;
	_ =	sdelay $0x2  }
0xa4: {  	s30 =	simm.s32 $0x0  }
0xa5: {  	v6 =	vld.idx.msk [tilespmem:v3+s30+$0xFFFFFE00 ss:$0x1], $0xffff  }
0xa6: {  	v7 =	vld.idx.msk [tilespmem:v4+s3+$0x0], $0xffff;
	_ =	sdelay $0x2  }
0xa7: {  	s31 =	sshll.u32 s20, $0xB  }
0xa8: {  	v4 =	vor.u32 s31, v0  }
0xa9: {  	v5 =	vor.u32 $0x80, v2;
	v6 =	vmul.f32 v7, v6  }
0xaa: {  	v8 =	vor.u32 v12, v5  }
0xab: {  	v6 =	vmul.f32 v6, v7;
	_ =	sdelay $0x1  }
0xac: {  	[tilespmem:v4+s16+$0x0] =	vst.idx.msk $0xffff, v6  }
0xad: {  	v7 =	vld.idx.msk [tilespmem:v3+s30+$0xFFFFFE80 ss:$0x1], $0xffff  }
0xae: {  	v8 =	vld.idx.msk [tilespmem:v8+s3+$0x0], $0xffff;
	_ =	sdelay $0x3  }
0xaf: {  	v9 =	vor.u32 $0x1, v4  }
0xb0: {  	v6 =	vor.u32 $0x100, v2;
	v7 =	vmul.f32 v8, v7  }
0xb1: {  	v10 =	vor.u32 v12, v6  }
0xb2: {  	v7 =	vmul.f32 v7, v8;
	_ =	sdelay $0x1  }
0xb3: {  	[tilespmem:v9+s16+$0x0] =	vst.idx.msk $0xffff, v7  }
0xb4: {  	v8 =	vld.idx.msk [tilespmem:v3+s30+$0xFFFFFF00 ss:$0x1], $0xffff  }
0xb5: {  	v9 =	vld.idx.msk [tilespmem:v10+s3+$0x0], $0xffff;
	_ =	sdelay $0x3  }
0xb6: {  	v10 =	vor.u32 $0x2, v4  }
0xb7: {  	v7 =	vor.u32 $0x180, v2;
	v8 =	vmul.f32 v9, v8  }
0xb8: {  	v11 =	vor.u32 v12, v7  }
0xb9: {  	v8 =	vmul.f32 v8, v9;
	_ =	sdelay $0x1  }
0xba: {  	[tilespmem:v10+s16+$0x0] =	vst.idx.msk $0xffff, v8  }
0xbb: {  	v9 =	vld.idx.msk [tilespmem:v3+s30+$0xFFFFFF80 ss:$0x1], $0xffff  }
0xbc: {  	v10 =	vld.idx.msk [tilespmem:v11+s3+$0x0], $0xffff;
	_ =	sdelay $0x3  }
0xbd: {  	v11 =	vor.u32 $0x3, v4  }
0xbe: {  	v8 =	vor.u32 $0x200, v2;
	v9 =	vmul.f32 v10, v9  }
0xbf: {  	v13 =	vor.u32 v12, v8  }
0xc0: {  	v9 =	vmul.f32 v9, v10;
	_ =	sdelay $0x1  }
0xc1: {  	[tilespmem:v11+s16+$0x0] =	vst.idx.msk $0xffff, v9  }
0xc2: {  	v10 =	vld.idx.msk [tilespmem:v3+s30+$0x0 ss:$0x1], $0xffff  }
0xc3: {  	v11 =	vld.idx.msk [tilespmem:v13+s3+$0x0], $0xffff;
	_ =	sdelay $0x3  }
0xc4: {  	v13 =	vor.u32 $0x4, v4  }
0xc5: {  	v9 =	vor.u32 $0x280, v2;
	v10 =	vmul.f32 v11, v10  }
0xc6: {  	v14 =	vor.u32 v12, v9  }
0xc7: {  	v10 =	vmul.f32 v10, v11;
	_ =	sdelay $0x1  }
0xc8: {  	[tilespmem:v13+s16+$0x0] =	vst.idx.msk $0xffff, v10  }
0xc9: {  	v11 =	vld.idx.msk [tilespmem:v3+s30+$0x80 ss:$0x1], $0xffff  }
0xca: {  	v13 =	vld.idx.msk [tilespmem:v14+s3+$0x0], $0xffff;
	_ =	sdelay $0x3  }
0xcb: {  	v14 =	vor.u32 $0x5, v4  }
0xcc: {  	v10 =	vor.u32 $0x300, v2;
	v11 =	vmul.f32 v13, v11  }
0xcd: {  	v15 =	vor.u32 v12, v10  }
0xce: {  	v11 =	vmul.f32 v11, v13;
	_ =	sdelay $0x1  }
0xcf: {  	[tilespmem:v14+s16+$0x0] =	vst.idx.msk $0xffff, v11  }
0xd0: {  	v13 =	vld.idx.msk [tilespmem:v3+s30+$0x100 ss:$0x1], $0xffff  }
0xd1: {  	v14 =	vld.idx.msk [tilespmem:v15+s3+$0x0], $0xffff;
	_ =	sdelay $0x3  }
0xd2: {  	v15 =	vor.u32 $0x6, v4  }
0xd3: {  	v11 =	vor.u32 $0x380, v2;
	v13 =	vmul.f32 v14, v13  }
0xd4: {  	v12 =	vor.u32 v12, v11  }
0xd5: {  	v13 =	vmul.f32 v13, v14;
	_ =	sdelay $0x1  }
0xd6: {  	[tilespmem:v15+s16+$0x0] =	vst.idx.msk $0xffff, v13  }
0xd7: {  	v14 =	vld.idx.msk [tilespmem:v3+s30+$0x180 ss:$0x1], $0xffff  }
0xd8: {  	s21 =	simm.s32 $0x2000;
	v13 =	vor.u32 $0x7, v4;
	v15 =	vld.idx.msk [tilespmem:v12+s3+$0x0], $0xffff  }
.LBB2_7:
0xd9: {  	_ = 	snop  }
0xda: {  	p0 =	sne.s32 s21, $0x1E000;
	v1 =	vadd.s32 $0x8, v1;
	v4 =	vadd.s32 $0x8, v4;
	s22 =	smov.u32 s21;
	s21 =	sadd.s32 $0x2000, s21  }
0xdb: {  	_ =	sdelay $0x1  }
0xdc: {  	v12 =	vshll.u32 v1, $0x7;
	v14 =	vmul.f32 v15, v14  }
0xdd: {  	v16 =	vor.u32 v2, v12  }
0xde: {  	v14 =	vmul.f32 v14, v15;
	_ =	sdelay $0x1  }
0xdf: {  	s22 =	sshra.s32 s22, $0x2;
	[tilespmem:v13+s16+$0x0] =	vst.idx.msk $0xffff, v14  }
0xe0: {  	v13 =	vld.idx.msk [tilespmem:v3+s22+$0xFFFFFE00 ss:$0x1], $0xffff  }
0xe1: {  	v14 =	vld.idx.msk [tilespmem:v16+s3+$0x0], $0xffff;
	_ =	sdelay $0x5  }
0xe2: {  	v15 =	vor.u32 v12, v5;
	v13 =	vmul.f32 v14, v13;
	_ =	sdelay $0x1  }
0xe3: {  	v13 =	vmul.f32 v13, v14;
	_ =	sdelay $0x1  }
0xe4: {  	[tilespmem:v4+s16+$0x0] =	vst.idx.msk $0xffff, v13  }
0xe5: {  	v13 =	vld.idx.msk [tilespmem:v3+s22+$0xFFFFFE80 ss:$0x1], $0xffff  }
0xe6: {  	v14 =	vld.idx.msk [tilespmem:v15+s3+$0x0], $0xffff;
	_ =	sdelay $0x3  }
0xe7: {  	v15 =	vor.u32 $0x1, v4;
	_ =	sdelay $0x1  }
0xe8: {  	v16 =	vor.u32 v12, v6;
	v13 =	vmul.f32 v14, v13;
	_ =	sdelay $0x1  }
0xe9: {  	v13 =	vmul.f32 v13, v14;
	_ =	sdelay $0x1  }
0xea: {  	[tilespmem:v15+s16+$0x0] =	vst.idx.msk $0xffff, v13  }
0xeb: {  	v13 =	vld.idx.msk [tilespmem:v3+s22+$0xFFFFFF00 ss:$0x1], $0xffff  }
0xec: {  	v14 =	vld.idx.msk [tilespmem:v16+s3+$0x0], $0xffff;
	_ =	sdelay $0x2  }
0xed: {  	v15 =	vor.u32 $0x2, v4;
	_ =	sdelay $0x2  }
0xee: {  	v16 =	vor.u32 v12, v7;
	v13 =	vmul.f32 v14, v13;
	_ =	sdelay $0x1  }
0xef: {  	v13 =	vmul.f32 v13, v14;
	_ =	sdelay $0x1  }
0xf0: {  	[tilespmem:v15+s16+$0x0] =	vst.idx.msk $0xffff, v13  }
0xf1: {  	v13 =	vld.idx.msk [tilespmem:v3+s22+$0xFFFFFF80 ss:$0x1], $0xffff  }
0xf2: {  	v14 =	vld.idx.msk [tilespmem:v16+s3+$0x0], $0xffff;
	_ =	sdelay $0x1  }
0xf3: {  	v15 =	vor.u32 $0x3, v4;
	_ =	sdelay $0x3  }
0xf4: {  	v16 =	vor.u32 v12, v8;
	v13 =	vmul.f32 v14, v13;
	_ =	sdelay $0x1  }
0xf5: {  	v13 =	vmul.f32 v13, v14;
	_ =	sdelay $0x1  }
0xf6: {  	[tilespmem:v15+s16+$0x0] =	vst.idx.msk $0xffff, v13  }
0xf7: {  	v13 =	vld.idx.msk [tilespmem:v3+s22+$0x0 ss:$0x1], $0xffff  }
0xf8: {  	v14 =	vld.idx.msk [tilespmem:v16+s3+$0x0], $0xffff  }
0xf9: {  	v15 =	vor.u32 $0x4, v4;
	_ =	sdelay $0x4  }
0xfa: {  	v16 =	vor.u32 v12, v9;
	v13 =	vmul.f32 v14, v13;
	_ =	sdelay $0x1  }
0xfb: {  	v13 =	vmul.f32 v13, v14;
	_ =	sdelay $0x1  }
0xfc: {  	[tilespmem:v15+s16+$0x0] =	vst.idx.msk $0xffff, v13  }
0xfd: {  	v13 =	vld.idx.msk [tilespmem:v3+s22+$0x80 ss:$0x1], $0xffff  }
0xfe: {  	v14 =	vor.u32 $0x5, v4;
	v15 =	vld.idx.msk [tilespmem:v16+s3+$0x0], $0xffff;
	_ =	sdelay $0x5  }
0xff: {  	v16 =	vor.u32 v12, v10;
	v13 =	vmul.f32 v15, v13;
	_ =	sdelay $0x1  }
0x100: {  	v13 =	vmul.f32 v13, v15;
	_ =	sdelay $0x1  }
0x101: {  	[tilespmem:v14+s16+$0x0] =	vst.idx.msk $0xffff, v13  }
0x102: {  	v13 =	vor.u32 $0x6, v4;
	v14 =	vld.idx.msk [tilespmem:v3+s22+$0x100 ss:$0x1], $0xffff  }
0x103: {  	v15 =	vld.idx.msk [tilespmem:v16+s3+$0x0], $0xffff;
	_ =	sdelay $0x5  }
0x104: {  	v12 =	vor.u32 v12, v11;
	v14 =	vmul.f32 v15, v14;
	_ =	sdelay $0x1  }
.Ltmp2:
0x105: {  	v14 =	vmul.f32 v14, v15;
	(pc) =	sbr.rel @p0 .LBB2_7-.Ltmp2, $4  }
0x106: {  	_ = 	snop  }
0x107: {  	[tilespmem:v13+s16+$0x0] =	vst.idx.msk $0xffff, v14;
	v13 =	vor.u32 $0x7, v4  }
0x108: {  	v14 =	vld.idx.msk [tilespmem:v3+s22+$0x180 ss:$0x1], $0xffff  }
0x109: {  	v15 =	vld.idx.msk [tilespmem:v12+s3+$0x0], $0xffff  }
0x10a: {  	_ =	sdelay $0x1  }
0x10b: {  	s20 =	sadd.s32 $0x1, s20  }
0x10c: {  	p0 =	sne.s32 s20, $0x10  }
.Ltmp3:
0x10d: {  	v1 =	vmul.f32 v15, v14;
	(pc) =	sbr.rel @p0 .LBB2_6-.Ltmp3, $3  }
0x10e: {  	_ = 	snop  }
0x10f: {  	v1 =	vmul.f32 v1, v15;
	_ =	sdelay $0x1  }
0x110: {  	s19 =	sadd.s32 $0x80, s19;
	s18 =	sadd.s32 $0x1, s18;
	[tilespmem:v13+s16+$0x0] =	vst.idx.msk $0xffff, v1  }
0x111: {  	s17 =	sadd.s32 $0x1, s17  }
0x112: {  	p0 =	sne.s32 s17, s9  }
.Ltmp4:
0x113: {  	_ = 	snop;
	(pc) =	sbr.rel @p0 .LBB2_1-.Ltmp4, $4  }
0x114: {  	[hbm4b:s8+s3] =	stream.linear.scatter [tilespmem:s16], [sflag:$0x1], $0x8000, $0x38;
	[tilespmem:$0x14200] =	vst v63  }
0x115: {  	_ =	swait.ge [sflag:s12], $0x8000  }
0x116: {  	[sflag:s12] =	ssyncset.done $0x0  }
0x117: {  	[sflag:s12] =	ssyncadd.s32 $0xFFFF8000  }
0x118: {  	_ =	sfence.sel $0x180000  }
0x119: {  	[bflag:$0x0] =	sbarrier.arrive $0xFFFF  }
0x11a: {  	p0 =	sne.s32 s2, $0x0;
	_ =	strace $0x90000047  }
0x11b: {  	s0 =	sadd.s32 @!p0 $0x100000, s0;
	[bflag:$0x2] =	sbarrier.arrive $0xFFFF  }
0x11c: {  	[sflag:s0] =	ssyncadd.tile.s32 @!p0 $0x1;
	_ =	shalt  }
.Lfunc_end2:
_tile_overlayer_lowered:
.L_overlay_start_2:
0x11d: {  	(tag) =	ssettag $0x2  }
0x11e: {  	s0 =	rddreg [dreg:$0x0];
	s2 =	stileid.u32  }
0x11f: {  	s1 =	rddreg [dreg:$0x1];
	p0 =	sne.s32 s2, $0x0  }
0x120: {  	s3 =	rddreg [dreg:$0x2];
	[bflag:$0x3] =	sbarrier.arrive $0xFFFF;
	s2 =	simm.s32 @!p0 $0x1C01  }
0x121: {  	[timem:s3], [sflag:s2] =	dma.local @!p0 [hbm:s0], s1  }
0x122: {  	s0 =	simm.s32 @!p0 $0x1  }
0x123: {  	_ =	swait.ge @!p0 [sflag:s0], s1  }
0x124: {  	s1 =	ssub.s32 @!p0 $0x0, s1;
	[sflag:s0] =	ssyncset.done @!p0 $0x0  }
0x125: {  	[sflag:s0] =	ssyncadd.s32 @!p0 s1  }
0x126: {  	[bflag:$0x3] =	sbarrier.arrive $0xFFFF  }
0x127: {  	_ =	shalt  }

</sc_bundles>
